<compile_context>
chip_gen: v7x
topology: tpu7x:2x2x1
jax: 0.10.2.dev20260603
libtpu: 0.0.44.dev20260713+nightly
codegen_flags: <defaults>
</compile_context>

<pallas_src>
import jax
import jax.numpy as jnp
from jax.experimental import pallas as pl
from jax.experimental.pallas import tpu as pltpu
from jax.experimental.pallas import tpu_sc as plsc

B = 1
T = 2048
DIM = 768
G = 2
V = 320
VAR_DIM = 128
CH = 1024
NCH = T // CH


def _tc_body(x_hbm, w_ref, idx_ref, ppl_ref, acc_ref, xb0, xb1, sem0, sem1):
    bufs = (xb0, xb1)
    sems = (sem0, sem1)

    def chunk_copy(c):
        return pltpu.make_async_copy(
            x_hbm.at[0, pl.ds(c * CH, CH), :], bufs[c % 2], sems[c % 2]
        )

    chunk_copy(0).start()
    for c in range(NCH):
        if c + 1 < NCH:
            chunk_copy(c + 1).start()
        chunk_copy(c).wait()
        lgt = jax.lax.dot_general(
            w_ref[...],
            bufs[c % 2][...],
            dimension_numbers=(((1,), (1,)), ((), ())),
            preferred_element_type=jnp.float32,
        )
        for g in range(G):
            lg = lgt[g * V : (g + 1) * V, :]
            m = jnp.max(lg, axis=0, keepdims=True)
            e = jnp.exp(lg - m)
            r = 1.0 / jnp.sum(e, axis=0, keepdims=True)
            probs = e * r
            if c == 0:
                acc_ref[g * V : (g + 1) * V, :] = probs
            else:
                acc_ref[g * V : (g + 1) * V, :] += probs
            iota = jax.lax.broadcasted_iota(jnp.int32, (V, CH), 0)
            k = jnp.min(jnp.where(lg == m, iota, V), axis=0)
            idx_ref[g, pl.ds(c * CH, CH)] = (k + g * V).astype(jnp.int32)

    sums = jnp.sum(acc_ref[...], axis=1)
    avg = (sums[0:V] + sums[V : 2 * V]) / (T * G)
    ent = jnp.sum(avg * jnp.log(avg + 1e-7))
    ppl_ref[...] = jnp.broadcast_to(jnp.exp(-ent), (1, 1))


def _tc_call(x3, w):
    return pl.pallas_call(
        _tc_body,
        in_specs=[
            pl.BlockSpec(memory_space=pltpu.MemorySpace.HBM),
            pl.BlockSpec((G * V, DIM), lambda: (0, 0)),
        ],
        out_specs=[
            pl.BlockSpec((G, T), lambda: (0, 0)),
            pl.BlockSpec((1, 1), lambda: (0, 0)),
        ],
        out_shape=[
            jax.ShapeDtypeStruct((G, T), jnp.int32),
            jax.ShapeDtypeStruct((1, 1), jnp.float32),
        ],
        scratch_shapes=[
            pltpu.VMEM((G * V, CH), jnp.float32),
            pltpu.VMEM((CH, DIM), jnp.float32),
            pltpu.VMEM((CH, DIM), jnp.float32),
            pltpu.SemaphoreType.DMA,
            pltpu.SemaphoreType.DMA,
        ],
    )(x3, w)


def _sc_gather(cb, idx):
    mesh = plsc.VectorSubcoreMesh(core_axis_name="core", subcore_axis_name="subcore")

    n_sub = 16
    win = T // n_sub

    @pl.kernel(
        out_type=jax.ShapeDtypeStruct((T, G * VAR_DIM), jnp.float32),
        mesh=mesh,
        scratch_types=[
            pltpu.VMEM((win,), jnp.int32),
            pltpu.VMEM((win, VAR_DIM), jnp.float32),
        ],
    )
    def k(cb_hbm, i_hbm, o_hbm, i_vmem, o_vmem):
        c = jax.lax.axis_index("core")
        s = jax.lax.axis_index("subcore")
        pltpu.sync_copy(i_hbm.at[c, pl.ds(s * win, win)], i_vmem)
        pltpu.sync_copy(cb_hbm.at[0].at[i_vmem], o_vmem)
        pltpu.sync_copy(
            o_vmem,
            o_hbm.at[pl.ds(s * win, win), pl.ds(c * VAR_DIM, VAR_DIM)],
        )

    return k(cb, idx)


def kernel(x, W, b, codebook_vars):
    del b
    idx, ppl = _tc_call(x, W)
    xq = _sc_gather(codebook_vars, idx).reshape(B, T, G * VAR_DIM)
    return xq, ppl.reshape(())

# --- scband reference (transcript-rebuilt; emitter-appended) ---
"""Pipeline reference for scband-gumbel-vector-quantizer-7164005449834 (READ-ONLY COPY).

The authoritative reference and input builder live on the scoring server;
editing this copy changes nothing except your own understanding.
"""

import jax, jax.numpy as jnp
import numpy as np

B = 1
T = 2048
DIM = 768
NUM_GROUPS = 2
NUM_VARS = 320
VQ_DIM = 256
VAR_DIM = VQ_DIM // NUM_GROUPS


def setup_inputs(seed: int = 0) -> dict:
    key = jax.random.key(seed)
    k1, k2, k3 = jax.random.split(key, 3)
    x = jax.random.normal(k1, (B, T, DIM), dtype=jnp.float32)
    # weight_proj: nn.Linear(dim, num_groups*num_vars), weight init normal(0,1), bias zeros
    W = jax.random.normal(k2, (NUM_GROUPS * NUM_VARS, DIM), dtype=jnp.float32)
    b = jnp.zeros((NUM_GROUPS * NUM_VARS,), dtype=jnp.float32)
    # self.vars: uniform init, shape [1, num_groups*num_vars, var_dim]
    codebook_vars = jax.random.uniform(k3, (1, NUM_GROUPS * NUM_VARS, VAR_DIM), dtype=jnp.float32)
    return {"x": x, "W": W, "b": b, "codebook_vars": codebook_vars}


def reference(x, W, b, codebook_vars):
    bsz, tsz, fsz = x.shape
    # weight_proj
    logits = jnp.einsum('btf,vf->btv', x, W) + b  # [B, T, G*V]
    logits = logits.reshape(bsz * tsz * NUM_GROUPS, NUM_VARS)
    avg_probs = jax.nn.softmax(logits.astype(jnp.float32), axis=-1).mean(axis=0)  # [V]
    # eval-mode hard assignment (deterministic argmax one-hot)
    k = jnp.argmax(logits, axis=-1)  # [B*T*G]
    hard = jax.nn.one_hot(k, NUM_VARS, dtype=logits.dtype)  # [B*T*G, V]
    prob_ppl = jnp.sum(jnp.exp(-jnp.sum(avg_probs * jnp.log(avg_probs + 1e-7), axis=-1)))
    xq = hard.reshape(bsz * tsz, NUM_GROUPS * NUM_VARS, 1)
    xq = xq * codebook_vars  # [B*T, G*V, var_dim]
    xq = xq.reshape(bsz * tsz, NUM_GROUPS, NUM_VARS, VAR_DIM).sum(axis=-2)  # [B*T, G, var_dim]
    xq = xq.reshape(bsz, tsz, -1)  # [B, T, vq_dim]
    return xq, prob_ppl

if __name__ == "__main__":
    import jax
    _d = setup_inputs()
    print(jax.jit(kernel)(*tuple(_d.values())))

</pallas_src>

<mosaic_0001>
#map = affine_map<(d0, d1) -> (0, 0, 0)>
#map1 = affine_map<(d0, d1) -> (0, 0)>
module attributes {stable_mosaic.version = 14 : i64} {
  func.func @k(%arg0: i32, %arg1: i32, %arg2: memref<1x640x128xf32, #tpu.memory_space<hbm>>, %arg3: memref<2x2048xi32, #tpu.memory_space<hbm>>, %arg4: memref<2048x256xf32, #tpu.memory_space<hbm>>, %arg5: memref<128xi32, #tpu.memory_space<vmem>>, %arg6: memref<128x128xf32, #tpu.memory_space<vmem>>) attributes {dimension_semantics = [#tpu.dimension_semantics<core_parallel>, #tpu.dimension_semantics<subcore_parallel>], iteration_bounds = array<i64: 2, 16>, scalar_prefetch = 0 : i64, scratch_operands = 2 : i64, tpu.core_type = #tpu.core_type<sc_vector_subcore>, window_params = [{transform_indices = #map}, {transform_indices = #map1}, {transform_indices = #map1}]} {
    %mul3A = arith.constant 128 : i32
    %mul3A_0 = arith.muli %arg1, %mul3A : i32
    "tpu.region"() ({
      %run_scoped3A_5 = tpu.sem_alloc : memref<!tpu.dma_semaphore, #tpu.memory_space<semaphore_mem>>
      %dma_start3A = tpu.memref_slice %arg3[%arg0, %mul3A_0] : memref<2x2048xi32, #tpu.memory_space<hbm>> -> memref<1x128xi32, #tpu.memory_space<hbm>>
      %dma_start3A_6 = tpu.memref_squeeze %dma_start3A : memref<1x128xi32, #tpu.memory_space<hbm>> -> memref<128xi32, #tpu.memory_space<hbm>>
      %dma_start3A_7 = tpu.memref_slice %arg3[%arg0, %mul3A_0] : memref<2x2048xi32, #tpu.memory_space<hbm>> -> memref<1x128xi32, #tpu.memory_space<hbm>>
      %dma_start3A_8 = tpu.memref_squeeze %dma_start3A_7 : memref<1x128xi32, #tpu.memory_space<hbm>> -> memref<128xi32, #tpu.memory_space<hbm>>
      tpu.enqueue_dma source(%dma_start3A_8 : memref<128xi32, #tpu.memory_space<hbm>>) target(%arg5 : memref<128xi32, #tpu.memory_space<vmem>>) target_semaphore(%run_scoped3A_5 : memref<!tpu.dma_semaphore, #tpu.memory_space<semaphore_mem>>)
      %dma_wait3A = tpu.memref_slice %arg3[%arg0, %mul3A_0] : memref<2x2048xi32, #tpu.memory_space<hbm>> -> memref<1x128xi32, #tpu.memory_space<hbm>>
      %dma_wait3A_9 = tpu.memref_squeeze %dma_wait3A : memref<1x128xi32, #tpu.memory_space<hbm>> -> memref<128xi32, #tpu.memory_space<hbm>>
      %dma_wait3A_10 = tpu.memref_slice %arg3[%arg0, %mul3A_0] : memref<2x2048xi32, #tpu.memory_space<hbm>> -> memref<1x128xi32, #tpu.memory_space<hbm>>
      %dma_wait3A_11 = tpu.memref_squeeze %dma_wait3A_10 : memref<1x128xi32, #tpu.memory_space<hbm>> -> memref<128xi32, #tpu.memory_space<hbm>>
      tpu.wait_dma2 semaphore(%run_scoped3A_5 : memref<!tpu.dma_semaphore, #tpu.memory_space<semaphore_mem>>) src(%dma_wait3A_11 : memref<128xi32, #tpu.memory_space<hbm>>) dst(%arg5 : memref<128xi32, #tpu.memory_space<vmem>>)
      tpu.yield
    }) : () -> ()
    %run_scoped3A = arith.constant 0 : i32
    "tpu.region"() ({
      %run_scoped3A_5 = tpu.sem_alloc : memref<!tpu.dma_semaphore, #tpu.memory_space<semaphore_mem>>
      %dma_start3A = arith.constant 0 : i32
      %dma_start3A_6 = arith.constant 0 : i32
      %dma_start3A_7 = tpu.memref_slice %arg2[%run_scoped3A, %dma_start3A, %dma_start3A_6] : memref<1x640x128xf32, #tpu.memory_space<hbm>> -> memref<1x640x128xf32, #tpu.memory_space<hbm>>
      %dma_start3A_8 = tpu.memref_squeeze %dma_start3A_7 : memref<1x640x128xf32, #tpu.memory_space<hbm>> -> memref<640x128xf32, #tpu.memory_space<hbm>>
      %dma_start3A_9 = arith.constant 0 : i32
      %dma_start3A_10 = arith.constant 0 : i32
      %dma_start3A_11 = tpu.memref_slice %dma_start3A_8[%dma_start3A_9, %dma_start3A_10] : memref<640x128xf32, #tpu.memory_space<hbm>> -> memref<640x128xf32, #tpu.memory_space<hbm>>
      tpu.enqueue_indirect_dma source(%dma_start3A_11 : memref<640x128xf32, #tpu.memory_space<hbm>>) target(%arg6 : memref<128x128xf32, #tpu.memory_space<vmem>>) offsets(%arg5 : memref<128xi32, #tpu.memory_space<vmem>>) semaphore(%run_scoped3A_5 : memref<!tpu.dma_semaphore, #tpu.memory_space<semaphore_mem>>)
      %dma_wait3A = arith.constant 0 : i32
      %dma_wait3A_12 = arith.constant 0 : i32
      %dma_wait3A_13 = tpu.memref_slice %arg2[%run_scoped3A, %dma_wait3A, %dma_wait3A_12] : memref<1x640x128xf32, #tpu.memory_space<hbm>> -> memref<1x640x128xf32, #tpu.memory_space<hbm>>
      %dma_wait3A_14 = tpu.memref_squeeze %dma_wait3A_13 : memref<1x640x128xf32, #tpu.memory_space<hbm>> -> memref<640x128xf32, #tpu.memory_space<hbm>>
      %dma_wait3A_15 = arith.constant 0 : i32
      %dma_wait3A_16 = arith.constant 0 : i32
      %dma_wait3A_17 = tpu.memref_slice %dma_wait3A_14[%dma_wait3A_15, %dma_wait3A_16] : memref<640x128xf32, #tpu.memory_space<hbm>> -> memref<640x128xf32, #tpu.memory_space<hbm>>
      tpu.wait_indirect_dma semaphore(%run_scoped3A_5 : memref<!tpu.dma_semaphore, #tpu.memory_space<semaphore_mem>>) src(%dma_wait3A_17 : memref<640x128xf32, #tpu.memory_space<hbm>>) dst(%arg6 : memref<128x128xf32, #tpu.memory_space<vmem>>)
      tpu.yield
    }) : () -> ()
    %mul3A_1 = arith.constant 128 : i32
    %mul3A_2 = arith.muli %arg1, %mul3A_1 : i32
    %mul3A_3 = arith.constant 128 : i32
    %mul3A_4 = arith.muli %arg0, %mul3A_3 : i32
    "tpu.region"() ({
      %run_scoped3A_5 = tpu.sem_alloc : memref<!tpu.dma_semaphore, #tpu.memory_space<semaphore_mem>>
      %dma_start3A = tpu.memref_slice %arg4[%mul3A_2, %mul3A_4] : memref<2048x256xf32, #tpu.memory_space<hbm>> -> memref<128x128xf32, #tpu.memory_space<hbm>>
      %dma_start3A_6 = tpu.memref_slice %arg4[%mul3A_2, %mul3A_4] : memref<2048x256xf32, #tpu.memory_space<hbm>> -> memref<128x128xf32, #tpu.memory_space<hbm>>
      tpu.enqueue_dma source(%arg6 : memref<128x128xf32, #tpu.memory_space<vmem>>) target(%dma_start3A_6 : memref<128x128xf32, #tpu.memory_space<hbm>>) target_semaphore(%run_scoped3A_5 : memref<!tpu.dma_semaphore, #tpu.memory_space<semaphore_mem>>)
      %dma_wait3A = tpu.memref_slice %arg4[%mul3A_2, %mul3A_4] : memref<2048x256xf32, #tpu.memory_space<hbm>> -> memref<128x128xf32, #tpu.memory_space<hbm>>
      %dma_wait3A_7 = tpu.memref_slice %arg4[%mul3A_2, %mul3A_4] : memref<2048x256xf32, #tpu.memory_space<hbm>> -> memref<128x128xf32, #tpu.memory_space<hbm>>
      tpu.wait_dma2 semaphore(%run_scoped3A_5 : memref<!tpu.dma_semaphore, #tpu.memory_space<semaphore_mem>>) src(%arg6 : memref<128x128xf32, #tpu.memory_space<vmem>>) dst(%dma_wait3A_7 : memref<128x128xf32, #tpu.memory_space<hbm>>)
      tpu.yield
    }) : () -> ()
    return
  }
}

module attributes {stable_mosaic.version = 14 : i64} {
  func.func @_tc_body(%arg0: memref<1x2048x768xf32, #tpu.memory_space<hbm>>, %arg1: memref<640x768xf32, #tpu.memory_space<vmem>>, %arg2: memref<2x2048xi32, #tpu.memory_space<vmem>>, %arg3: memref<1x1xf32, #tpu.memory_space<vmem>>, %arg4: memref<640x1024xf32, #tpu.memory_space<vmem>>, %arg5: memref<1024x768xf32, #tpu.memory_space<vmem>>, %arg6: memref<1024x768xf32, #tpu.memory_space<vmem>>, %arg7: memref<!tpu.dma_semaphore, #tpu.memory_space<semaphore_mem>>, %arg8: memref<!tpu.dma_semaphore, #tpu.memory_space<semaphore_mem>>) attributes {dimension_semantics = [], scalar_prefetch = 0 : i64, scratch_operands = 5 : i64, tpu.core_type = #tpu.core_type<tc>} {
    %dma_start3A = arith.constant 0 : i32
    %dma_start3A_0 = arith.constant 0 : i32
    %dma_start3A_1 = arith.constant 0 : i32
    %dma_start3A_2 = tpu.memref_slice %arg0[%dma_start3A, %dma_start3A_0, %dma_start3A_1] : memref<1x2048x768xf32, #tpu.memory_space<hbm>> -> memref<1x1024x768xf32, #tpu.memory_space<hbm>>
    %dma_start3A_3 = tpu.memref_squeeze %dma_start3A_2 : memref<1x1024x768xf32, #tpu.memory_space<hbm>> -> memref<1024x768xf32, #tpu.memory_space<hbm>>
    tpu.enqueue_dma source(%dma_start3A_3 : memref<1024x768xf32, #tpu.memory_space<hbm>>) target(%arg5 : memref<1024x768xf32, #tpu.memory_space<vmem>>) target_semaphore(%arg7 : memref<!tpu.dma_semaphore, #tpu.memory_space<semaphore_mem>>)
    %dma_start3A_4 = arith.constant 0 : i32
    %dma_start3A_5 = arith.constant 1024 : i32
    %dma_start3A_6 = arith.constant 0 : i32
    %dma_start3A_7 = tpu.memref_slice %arg0[%dma_start3A_4, %dma_start3A_5, %dma_start3A_6] : memref<1x2048x768xf32, #tpu.memory_space<hbm>> -> memref<1x1024x768xf32, #tpu.memory_space<hbm>>
    %dma_start3A_8 = tpu.memref_squeeze %dma_start3A_7 : memref<1x1024x768xf32, #tpu.memory_space<hbm>> -> memref<1024x768xf32, #tpu.memory_space<hbm>>
    tpu.enqueue_dma source(%dma_start3A_8 : memref<1024x768xf32, #tpu.memory_space<hbm>>) target(%arg6 : memref<1024x768xf32, #tpu.memory_space<vmem>>) target_semaphore(%arg8 : memref<!tpu.dma_semaphore, #tpu.memory_space<semaphore_mem>>)
    %dma_wait3A = arith.constant 0 : i32
    %dma_wait3A_9 = arith.constant 0 : i32
    %dma_wait3A_10 = arith.constant 0 : i32
    %dma_wait3A_11 = tpu.memref_slice %arg0[%dma_wait3A, %dma_wait3A_9, %dma_wait3A_10] : memref<1x2048x768xf32, #tpu.memory_space<hbm>> -> memref<1x1024x768xf32, #tpu.memory_space<hbm>>
    %dma_wait3A_12 = tpu.memref_squeeze %dma_wait3A_11 : memref<1x1024x768xf32, #tpu.memory_space<hbm>> -> memref<1024x768xf32, #tpu.memory_space<hbm>>
    tpu.wait_dma2 semaphore(%arg7 : memref<!tpu.dma_semaphore, #tpu.memory_space<semaphore_mem>>) src(%dma_wait3A_12 : memref<1024x768xf32, #tpu.memory_space<hbm>>) dst(%arg5 : memref<1024x768xf32, #tpu.memory_space<vmem>>)
    %get3A = arith.constant 0 : index
    %get3A_13 = arith.constant 0 : index
    %get3A_14 = vector.load %arg1[%get3A, %get3A_13] : memref<640x768xf32, #tpu.memory_space<vmem>>, vector<640x768xf32>
    %get3A_15 = arith.constant 0 : index
    %get3A_16 = arith.constant 0 : index
    %get3A_17 = vector.load %arg5[%get3A_15, %get3A_16] : memref<1024x768xf32, #tpu.memory_space<vmem>>, vector<1024x768xf32>
    %dot_general3A = arith.constant dense<0.000000e+00> : vector<640x1024xf32>
    %dot_general3A_18 = tpu.matmul %get3A_14, %get3A_17, %dot_general3A {dimension_numbers = #tpu.dot_dimension_numbers<[1], [1], [0], [0], [0, 0, 1, 0], [], []>, transpose_lhs_hint = false} : vector<640x768xf32>, vector<1024x768xf32>, vector<640x1024xf32> -> vector<640x1024xf32>
    %slice3A = vector.extract_strided_slice %dot_general3A_18 {offsets = [0, 0], sizes = [320, 1024], strides = [1, 1]} : vector<640x1024xf32> to vector<320x1024xf32>
    %reduce_max3A = arith.constant dense<0xFF800000> : vector<1024xf32>
    %reduce_max3A_19 = vector.multi_reduction <maximumf>, %slice3A, %reduce_max3A [0] : vector<320x1024xf32> to vector<1024xf32>
    %broadcast_in_dim3A = vector.shape_cast %reduce_max3A_19 : vector<1024xf32> to vector<1x1024xf32>
    %sub3A = vector.broadcast %broadcast_in_dim3A : vector<1x1024xf32> to vector<320x1024xf32>
    %sub3A_20 = arith.subf %slice3A, %sub3A : vector<320x1024xf32>
    %exp3A = math.exp %sub3A_20 : vector<320x1024xf32>
    %reduce_sum3A = arith.constant dense<0.000000e+00> : vector<1024xf32>
    %reduce_sum3A_21 = vector.multi_reduction <add>, %exp3A, %reduce_sum3A [0] : vector<320x1024xf32> to vector<1024xf32>
    %broadcast_in_dim3A_22 = vector.shape_cast %reduce_sum3A_21 : vector<1024xf32> to vector<1x1024xf32>
    %div3A = arith.constant 1.000000e+00 : f32
    %div3A_23 = vector.broadcast %div3A : f32 to vector<1x1024xf32>
    %div3A_24 = arith.divf %div3A_23, %broadcast_in_dim3A_22 : vector<1x1024xf32>
    %mul3A = vector.broadcast %div3A_24 : vector<1x1024xf32> to vector<320x1024xf32>
    %mul3A_25 = arith.mulf %exp3A, %mul3A : vector<320x1024xf32>
    %swap3A = arith.constant 0 : index
    %swap3A_26 = arith.constant 0 : index
    %swap3A_27 = vector.load %arg4[%swap3A, %swap3A_26] : memref<640x1024xf32, #tpu.memory_space<vmem>>, vector<320x1024xf32>
    tpu.vector_store %arg4[%swap3A, %swap3A_26], %mul3A_25 {strides = array<i32>} : memref<640x1024xf32, #tpu.memory_space<vmem>>, vector<320x1024xf32>,
    %iota3A = tpu.iota {dimensions = array<i32: 0>} : vector<320x1024xi32>
    %eq3A = vector.broadcast %broadcast_in_dim3A : vector<1x1024xf32> to vector<320x1024xf32>
    %eq3A_28 = arith.cmpf oeq, %slice3A, %eq3A : vector<320x1024xf32>
    %jit3A = arith.constant 320 : i32
    %broadcast_in_dim3A_29 = vector.broadcast %jit3A : i32 to vector<320x1024xi32>
    %select_n3A = arith.select %eq3A_28, %iota3A, %broadcast_in_dim3A_29 : vector<320x1024xi1>, vector<320x1024xi32>
    %reduce_min3A = arith.constant dense<2147483647> : vector<1024xi32>
    %reduce_min3A_30 = vector.multi_reduction <minsi>, %select_n3A, %reduce_min3A [0] : vector<320x1024xi32> to vector<1024xi32>
    %add3A = arith.constant 0 : i32
    %add3A_31 = vector.broadcast %add3A : i32 to vector<1024xi32>
    %add3A_32 = arith.addi %reduce_min3A_30, %add3A_31 : vector<1024xi32>
    %swap3A_33 = arith.constant 0 : index
    %swap3A_34 = arith.constant 0 : index
    %swap3A_35 = vector.load %arg2[%swap3A_33, %swap3A_34] : memref<2x2048xi32, #tpu.memory_space<vmem>>, vector<1x1024xi32>
    %swap3A_36 = vector.shape_cast %swap3A_35 : vector<1x1024xi32> to vector<1024xi32>
    %swap3A_37 = vector.shape_cast %add3A_32 : vector<1024xi32> to vector<1x1024xi32>
    tpu.vector_store %arg2[%swap3A_33, %swap3A_34], %swap3A_37 {strides = array<i32>} : memref<2x2048xi32, #tpu.memory_space<vmem>>, vector<1x1024xi32>,
    %slice3A_38 = vector.extract_strided_slice %dot_general3A_18 {offsets = [320, 0], sizes = [320, 1024], strides = [1, 1]} : vector<640x1024xf32> to vector<320x1024xf32>
    %reduce_max3A_39 = arith.constant dense<0xFF800000> : vector<1024xf32>
    %reduce_max3A_40 = vector.multi_reduction <maximumf>, %slice3A_38, %reduce_max3A_39 [0] : vector<320x1024xf32> to vector<1024xf32>
    %broadcast_in_dim3A_41 = vector.shape_cast %reduce_max3A_40 : vector<1024xf32> to vector<1x1024xf32>
    %sub3A_42 = vector.broadcast %broadcast_in_dim3A_41 : vector<1x1024xf32> to vector<320x1024xf32>
    %sub3A_43 = arith.subf %slice3A_38, %sub3A_42 : vector<320x1024xf32>
    %exp3A_44 = math.exp %sub3A_43 : vector<320x1024xf32>
    %reduce_sum3A_45 = arith.constant dense<0.000000e+00> : vector<1024xf32>
    %reduce_sum3A_46 = vector.multi_reduction <add>, %exp3A_44, %reduce_sum3A_45 [0] : vector<320x1024xf32> to vector<1024xf32>
    %broadcast_in_dim3A_47 = vector.shape_cast %reduce_sum3A_46 : vector<1024xf32> to vector<1x1024xf32>
    %div3A_48 = arith.constant 1.000000e+00 : f32
    %div3A_49 = vector.broadcast %div3A_48 : f32 to vector<1x1024xf32>
    %div3A_50 = arith.divf %div3A_49, %broadcast_in_dim3A_47 : vector<1x1024xf32>
    %mul3A_51 = vector.broadcast %div3A_50 : vector<1x1024xf32> to vector<320x1024xf32>
    %mul3A_52 = arith.mulf %exp3A_44, %mul3A_51 : vector<320x1024xf32>
    %swap3A_53 = arith.constant 320 : index
    %swap3A_54 = arith.constant 0 : index
    %swap3A_55 = vector.load %arg4[%swap3A_53, %swap3A_54] : memref<640x1024xf32, #tpu.memory_space<vmem>>, vector<320x1024xf32>
    tpu.vector_store %arg4[%swap3A_53, %swap3A_54], %mul3A_52 {strides = array<i32>} : memref<640x1024xf32, #tpu.memory_space<vmem>>, vector<320x1024xf32>,
    %iota3A_56 = tpu.iota {dimensions = array<i32: 0>} : vector<320x1024xi32>
    %eq3A_57 = vector.broadcast %broadcast_in_dim3A_41 : vector<1x1024xf32> to vector<320x1024xf32>
    %eq3A_58 = arith.cmpf oeq, %slice3A_38, %eq3A_57 : vector<320x1024xf32>
    %jit3A_59 = arith.constant 320 : i32
    %broadcast_in_dim3A_60 = vector.broadcast %jit3A_59 : i32 to vector<320x1024xi32>
    %select_n3A_61 = arith.select %eq3A_58, %iota3A_56, %broadcast_in_dim3A_60 : vector<320x1024xi1>, vector<320x1024xi32>
    %reduce_min3A_62 = arith.constant dense<2147483647> : vector<1024xi32>
    %reduce_min3A_63 = vector.multi_reduction <minsi>, %select_n3A_61, %reduce_min3A_62 [0] : vector<320x1024xi32> to vector<1024xi32>
    %add3A_64 = arith.constant 320 : i32
    %add3A_65 = vector.broadcast %add3A_64 : i32 to vector<1024xi32>
    %add3A_66 = arith.addi %reduce_min3A_63, %add3A_65 : vector<1024xi32>
    %swap3A_67 = arith.constant 1 : index
    %swap3A_68 = arith.constant 0 : index
    %swap3A_69 = vector.load %arg2[%swap3A_67, %swap3A_68] : memref<2x2048xi32, #tpu.memory_space<vmem>>, vector<1x1024xi32>
    %swap3A_70 = vector.shape_cast %swap3A_69 : vector<1x1024xi32> to vector<1024xi32>
    %swap3A_71 = vector.shape_cast %add3A_66 : vector<1024xi32> to vector<1x1024xi32>
    tpu.vector_store %arg2[%swap3A_67, %swap3A_68], %swap3A_71 {strides = array<i32>} : memref<2x2048xi32, #tpu.memory_space<vmem>>, vector<1x1024xi32>,
    %dma_wait3A_72 = arith.constant 0 : i32
    %dma_wait3A_73 = arith.constant 1024 : i32
    %dma_wait3A_74 = arith.constant 0 : i32
    %dma_wait3A_75 = tpu.memref_slice %arg0[%dma_wait3A_72, %dma_wait3A_73, %dma_wait3A_74] : memref<1x2048x768xf32, #tpu.memory_space<hbm>> -> memref<1x1024x768xf32, #tpu.memory_space<hbm>>
    %dma_wait3A_76 = tpu.memref_squeeze %dma_wait3A_75 : memref<1x1024x768xf32, #tpu.memory_space<hbm>> -> memref<1024x768xf32, #tpu.memory_space<hbm>>
    tpu.wait_dma2 semaphore(%arg8 : memref<!tpu.dma_semaphore, #tpu.memory_space<semaphore_mem>>) src(%dma_wait3A_76 : memref<1024x768xf32, #tpu.memory_space<hbm>>) dst(%arg6 : memref<1024x768xf32, #tpu.memory_space<vmem>>)
    %get3A_77 = arith.constant 0 : index
    %get3A_78 = arith.constant 0 : index
    %get3A_79 = vector.load %arg1[%get3A_77, %get3A_78] : memref<640x768xf32, #tpu.memory_space<vmem>>, vector<640x768xf32>
    %get3A_80 = arith.constant 0 : index
    %get3A_81 = arith.constant 0 : index
    %get3A_82 = vector.load %arg6[%get3A_80, %get3A_81] : memref<1024x768xf32, #tpu.memory_space<vmem>>, vector<1024x768xf32>
    %dot_general3A_83 = arith.constant dense<0.000000e+00> : vector<640x1024xf32>
    %dot_general3A_84 = tpu.matmul %get3A_79, %get3A_82, %dot_general3A_83 {dimension_numbers = #tpu.dot_dimension_numbers<[1], [1], [0], [0], [0, 0, 1, 0], [], []>, transpose_lhs_hint = false} : vector<640x768xf32>, vector<1024x768xf32>, vector<640x1024xf32> -> vector<640x1024xf32>
    %slice3A_85 = vector.extract_strided_slice %dot_general3A_84 {offsets = [0, 0], sizes = [320, 1024], strides = [1, 1]} : vector<640x1024xf32> to vector<320x1024xf32>
    %reduce_max3A_86 = arith.constant dense<0xFF800000> : vector<1024xf32>
    %reduce_max3A_87 = vector.multi_reduction <maximumf>, %slice3A_85, %reduce_max3A_86 [0] : vector<320x1024xf32> to vector<1024xf32>
    %broadcast_in_dim3A_88 = vector.shape_cast %reduce_max3A_87 : vector<1024xf32> to vector<1x1024xf32>
    %sub3A_89 = vector.broadcast %broadcast_in_dim3A_88 : vector<1x1024xf32> to vector<320x1024xf32>
    %sub3A_90 = arith.subf %slice3A_85, %sub3A_89 : vector<320x1024xf32>
    %exp3A_91 = math.exp %sub3A_90 : vector<320x1024xf32>
    %reduce_sum3A_92 = arith.constant dense<0.000000e+00> : vector<1024xf32>
    %reduce_sum3A_93 = vector.multi_reduction <add>, %exp3A_91, %reduce_sum3A_92 [0] : vector<320x1024xf32> to vector<1024xf32>
    %broadcast_in_dim3A_94 = vector.shape_cast %reduce_sum3A_93 : vector<1024xf32> to vector<1x1024xf32>
    %div3A_95 = arith.constant 1.000000e+00 : f32
    %div3A_96 = vector.broadcast %div3A_95 : f32 to vector<1x1024xf32>
    %div3A_97 = arith.divf %div3A_96, %broadcast_in_dim3A_94 : vector<1x1024xf32>
    %mul3A_98 = vector.broadcast %div3A_97 : vector<1x1024xf32> to vector<320x1024xf32>
    %mul3A_99 = arith.mulf %exp3A_91, %mul3A_98 : vector<320x1024xf32>
    %get3A_100 = arith.constant 0 : index
    %get3A_101 = arith.constant 0 : index
    %get3A_102 = vector.load %arg4[%get3A_100, %get3A_101] : memref<640x1024xf32, #tpu.memory_space<vmem>>, vector<320x1024xf32>
    %add3A_103 = arith.addf %get3A_102, %mul3A_99 : vector<320x1024xf32>
    %swap3A_104 = arith.constant 0 : index
    %swap3A_105 = arith.constant 0 : index
    %swap3A_106 = vector.load %arg4[%swap3A_104, %swap3A_105] : memref<640x1024xf32, #tpu.memory_space<vmem>>, vector<320x1024xf32>
    tpu.vector_store %arg4[%swap3A_104, %swap3A_105], %add3A_103 {strides = array<i32>} : memref<640x1024xf32, #tpu.memory_space<vmem>>, vector<320x1024xf32>,
    %iota3A_107 = tpu.iota {dimensions = array<i32: 0>} : vector<320x1024xi32>
    %eq3A_108 = vector.broadcast %broadcast_in_dim3A_88 : vector<1x1024xf32> to vector<320x1024xf32>
    %eq3A_109 = arith.cmpf oeq, %slice3A_85, %eq3A_108 : vector<320x1024xf32>
    %jit3A_110 = arith.constant 320 : i32
    %broadcast_in_dim3A_111 = vector.broadcast %jit3A_110 : i32 to vector<320x1024xi32>
    %select_n3A_112 = arith.select %eq3A_109, %iota3A_107, %broadcast_in_dim3A_111 : vector<320x1024xi1>, vector<320x1024xi32>
    %reduce_min3A_113 = arith.constant dense<2147483647> : vector<1024xi32>
    %reduce_min3A_114 = vector.multi_reduction <minsi>, %select_n3A_112, %reduce_min3A_113 [0] : vector<320x1024xi32> to vector<1024xi32>
    %add3A_115 = arith.constant 0 : i32
    %add3A_116 = vector.broadcast %add3A_115 : i32 to vector<1024xi32>
    %add3A_117 = arith.addi %reduce_min3A_114, %add3A_116 : vector<1024xi32>
    %swap3A_118 = arith.constant 0 : index
    %swap3A_119 = arith.constant 1024 : index
    %swap3A_120 = vector.load %arg2[%swap3A_118, %swap3A_119] : memref<2x2048xi32, #tpu.memory_space<vmem>>, vector<1x1024xi32>
    %swap3A_121 = vector.shape_cast %swap3A_120 : vector<1x1024xi32> to vector<1024xi32>
    %swap3A_122 = vector.shape_cast %add3A_117 : vector<1024xi32> to vector<1x1024xi32>
    tpu.vector_store %arg2[%swap3A_118, %swap3A_119], %swap3A_122 {strides = array<i32>} : memref<2x2048xi32, #tpu.memory_space<vmem>>, vector<1x1024xi32>,
    %slice3A_123 = vector.extract_strided_slice %dot_general3A_84 {offsets = [320, 0], sizes = [320, 1024], strides = [1, 1]} : vector<640x1024xf32> to vector<320x1024xf32>
    %reduce_max3A_124 = arith.constant dense<0xFF800000> : vector<1024xf32>
    %reduce_max3A_125 = vector.multi_reduction <maximumf>, %slice3A_123, %reduce_max3A_124 [0] : vector<320x1024xf32> to vector<1024xf32>
    %broadcast_in_dim3A_126 = vector.shape_cast %reduce_max3A_125 : vector<1024xf32> to vector<1x1024xf32>
    %sub3A_127 = vector.broadcast %broadcast_in_dim3A_126 : vector<1x1024xf32> to vector<320x1024xf32>
    %sub3A_128 = arith.subf %slice3A_123, %sub3A_127 : vector<320x1024xf32>
    %exp3A_129 = math.exp %sub3A_128 : vector<320x1024xf32>
    %reduce_sum3A_130 = arith.constant dense<0.000000e+00> : vector<1024xf32>
    %reduce_sum3A_131 = vector.multi_reduction <add>, %exp3A_129, %reduce_sum3A_130 [0] : vector<320x1024xf32> to vector<1024xf32>
    %broadcast_in_dim3A_132 = vector.shape_cast %reduce_sum3A_131 : vector<1024xf32> to vector<1x1024xf32>
    %div3A_133 = arith.constant 1.000000e+00 : f32
    %div3A_134 = vector.broadcast %div3A_133 : f32 to vector<1x1024xf32>
    %div3A_135 = arith.divf %div3A_134, %broadcast_in_dim3A_132 : vector<1x1024xf32>
    %mul3A_136 = vector.broadcast %div3A_135 : vector<1x1024xf32> to vector<320x1024xf32>
    %mul3A_137 = arith.mulf %exp3A_129, %mul3A_136 : vector<320x1024xf32>
    %get3A_138 = arith.constant 320 : index
    %get3A_139 = arith.constant 0 : index
    %get3A_140 = vector.load %arg4[%get3A_138, %get3A_139] : memref<640x1024xf32, #tpu.memory_space<vmem>>, vector<320x1024xf32>
    %add3A_141 = arith.addf %get3A_140, %mul3A_137 : vector<320x1024xf32>
    %swap3A_142 = arith.constant 320 : index
    %swap3A_143 = arith.constant 0 : index
    %swap3A_144 = vector.load %arg4[%swap3A_142, %swap3A_143] : memref<640x1024xf32, #tpu.memory_space<vmem>>, vector<320x1024xf32>
    tpu.vector_store %arg4[%swap3A_142, %swap3A_143], %add3A_141 {strides = array<i32>} : memref<640x1024xf32, #tpu.memory_space<vmem>>, vector<320x1024xf32>,
    %iota3A_145 = tpu.iota {dimensions = array<i32: 0>} : vector<320x1024xi32>
    %eq3A_146 = vector.broadcast %broadcast_in_dim3A_126 : vector<1x1024xf32> to vector<320x1024xf32>
    %eq3A_147 = arith.cmpf oeq, %slice3A_123, %eq3A_146 : vector<320x1024xf32>
    %jit3A_148 = arith.constant 320 : i32
    %broadcast_in_dim3A_149 = vector.broadcast %jit3A_148 : i32 to vector<320x1024xi32>
    %select_n3A_150 = arith.select %eq3A_147, %iota3A_145, %broadcast_in_dim3A_149 : vector<320x1024xi1>, vector<320x1024xi32>
    %reduce_min3A_151 = arith.constant dense<2147483647> : vector<1024xi32>
    %reduce_min3A_152 = vector.multi_reduction <minsi>, %select_n3A_150, %reduce_min3A_151 [0] : vector<320x1024xi32> to vector<1024xi32>
    %add3A_153 = arith.constant 320 : i32
    %add3A_154 = vector.broadcast %add3A_153 : i32 to vector<1024xi32>
    %add3A_155 = arith.addi %reduce_min3A_152, %add3A_154 : vector<1024xi32>
    %swap3A_156 = arith.constant 1 : index
    %swap3A_157 = arith.constant 1024 : index
    %swap3A_158 = vector.load %arg2[%swap3A_156, %swap3A_157] : memref<2x2048xi32, #tpu.memory_space<vmem>>, vector<1x1024xi32>
    %swap3A_159 = vector.shape_cast %swap3A_158 : vector<1x1024xi32> to vector<1024xi32>
    %swap3A_160 = vector.shape_cast %add3A_155 : vector<1024xi32> to vector<1x1024xi32>
    tpu.vector_store %arg2[%swap3A_156, %swap3A_157], %swap3A_160 {strides = array<i32>} : memref<2x2048xi32, #tpu.memory_space<vmem>>, vector<1x1024xi32>,
    %get3A_161 = arith.constant 0 : index
    %get3A_162 = arith.constant 0 : index
    %get3A_163 = vector.load %arg4[%get3A_161, %get3A_162] : memref<640x1024xf32, #tpu.memory_space<vmem>>, vector<640x1024xf32>
    %reduce_sum3A_164 = arith.constant dense<0.000000e+00> : vector<640xf32>
    %reduce_sum3A_165 = vector.multi_reduction <add>, %get3A_163, %reduce_sum3A_164 [1] : vector<640x1024xf32> to vector<640xf32>
    %slice3A_166 = vector.extract_strided_slice %reduce_sum3A_165 {offsets = [0], sizes = [320], strides = [1]} : vector<640xf32> to vector<320xf32>
    %slice3A_167 = vector.extract_strided_slice %reduce_sum3A_165 {offsets = [320], sizes = [320], strides = [1]} : vector<640xf32> to vector<320xf32>
    %add3A_168 = arith.addf %slice3A_166, %slice3A_167 : vector<320xf32>
    %div3A_169 = arith.constant 4.096000e+03 : f32
    %div3A_170 = vector.broadcast %div3A_169 : f32 to vector<320xf32>
    %div3A_171 = arith.divf %add3A_168, %div3A_170 : vector<320xf32>
    %add3A_172 = arith.constant 1.000000e-07 : f32
    %add3A_173 = vector.broadcast %add3A_172 : f32 to vector<320xf32>
    %add3A_174 = arith.addf %div3A_171, %add3A_173 : vector<320xf32>
    %log3A = math.log %add3A_174 : vector<320xf32>
    %mul3A_175 = arith.mulf %div3A_171, %log3A : vector<320xf32>
    %reduce_sum3A_176 = vector.shape_cast %mul3A_175 : vector<320xf32> to vector<1x320xf32>
    %reduce_sum3A_177 = arith.constant dense<0.000000e+00> : vector<1xf32>
    %reduce_sum3A_178 = vector.multi_reduction <add>, %reduce_sum3A_176, %reduce_sum3A_177 [1] : vector<1x320xf32> to vector<1xf32>
    %reduce_sum3A_179 = vector.shape_cast %reduce_sum3A_178 : vector<1xf32> to vector<1x1xf32>
    %reduce_sum3A_180 = vector.extract %reduce_sum3A_179[0, 0] : f32 from vector<1x1xf32>
    %neg3A = arith.constant 0.000000e+00 : f32
    %neg3A_181 = arith.subf %neg3A, %reduce_sum3A_180 : f32
    %exp3A_182 = math.exp %neg3A_181 : f32
    %broadcast_in_dim3A_183 = vector.broadcast %exp3A_182 : f32 to vector<1x1xf32>
    %swap3A_184 = arith.constant 0 : index
    %swap3A_185 = arith.constant 0 : index
    %swap3A_186 = vector.load %arg3[%swap3A_184, %swap3A_185] : memref<1x1xf32, #tpu.memory_space<vmem>>, vector<1x1xf32>
    tpu.vector_store %arg3[%swap3A_184, %swap3A_185], %broadcast_in_dim3A_183 {strides = array<i32>} : memref<1x1xf32, #tpu.memory_space<vmem>>, vector<1x1xf32>,
    return
  }
}

</mosaic_0001>

<sc_bundles>
// kernel: kernel.4.cloned.1.call-start
scs
__scs_entry_jumppad:
0x0: {  	(pc) =	sbr.rel $0x88, $3  }
0x1: {  	(tag) =	ssettag $0x0;
	lr =	simm.s32 $0x1  }
0x2: {  	[smem:$0x3F9E] =	sst lr;
	_ =	strace $0xD0000000  }
0x3: {  	_ = 	snop  }
0x4: {  	_ = 	snop  }
0x5: {  	_ = 	snop  }
0x6: {  	_ = 	snop  }
0x7: {  	_ = 	snop  }
__scs_overlays_trampoline_lowered:
0x8: {  	[smem:$0x3FAD] =	sst s0  }
0x9: {  	[smem:$0x3FAE] =	sst s1  }
0xa: {  	[smem:$0x3FAF] =	sst s2  }
0xb: {  	[smem:$0x3FB0] =	sst s3  }
0xc: {  	[smem:$0x3FB1] =	sst s4  }
0xd: {  	[smem:$0x3FB2] =	sst s5  }
0xe: {  	[smem:$0x3FB3] =	sst s6  }
0xf: {  	[smem:$0x3FB4] =	sst s7  }
0x10: {  	[smem:$0x3FB5] =	sst s8  }
0x11: {  	[smem:$0x3FB6] =	sst s9;
	s0 =	simm.s32 @!p0 $0x0  }
0x12: {  	s1 =	sld [smem:$0x3F9C];
	s0 =	simm.s32 @p0 $0x1  }
0x13: {  	[smem:$0x3FB7] =	sst s0;
	s0 =	simm.s32 @!p1 $0x0  }
0x14: {  	s2 =	sld [smem:$0x3F9B];
	s0 =	simm.s32 @p1 $0x1  }
0x15: {  	[smem:$0x3FB8] =	sst s0;
	s0 =	simm.s32 @!p2 $0x0  }
0x16: {  	s3 =	sld [smem:$0x3FDB];
	s0 =	simm.s32 @p2 $0x1  }
0x17: {  	s4 =	simm.s32 $0x1BF5;
	[smem:$0x3FBA] =	sst s0  }
0x18: {  	s0 =	sld [smem:$0x3F9D];
	_ =	swait.ge [sflag:s4], $0x0  }
0x19: {  	s7 =	sld [smem:$0x3F9E]  }
0x1a: {  	s8 =	sadd.s32 $0xFFFFE003, lr  }
0x1b: {  	s9 =	sadd.s32 $0xFFFFFEF7, lr;
	s5 =	simm.s32 $0xFFFFFFFF;
	p2 =	slt.u32 s8, $0xFFFFF086  }
0x1c: {  	p1 =	slt.u32 s9, $0xF7A;
	s5 =	simm.s32 @!p2 $0x0  }
0x1d: {  	s5 =	simm.s32 @p1 $0x1;
	p0 =	seq.s32 s7, s2  }
0x1e: {  	s7 =	smul.u32 @!p0 $0xF7A, s2;
	p2 =	seq.s32 @!p0 s5, $0x0  }
0x1f: {  	s9 =	smul.u32 $0xF7A, s1;
	s8 =	simm.s32 @!p0 $0x1BF5;
	p2 =	por !p2, p0  }
0x20: {  	[sflag:s8] =	ssyncset.s32 @!p0 $0xFFFFF086;
	s6 =	sadd.s32 @!p0 s3, s7;
	s7 =	simm.s32 @!p0 $0x108  }
0x21: {  	s3 =	sadd.s32 s3, s9;
	s6 =	sadd.s32 @!p0 $0x88, s6;
	s7 =	simm.s32 @p2 $0x1082  }
0x22: {  	[simem:s7], [sflag:s8] =	dma.local @!p0 [hbm:s6], $0xF7A  }
0x23: {  	s9 =	sor.u32 $0xD0000000, s2;
	s6 =	simm.s32 $0x108;
	_ =	swait.ge @!p0 [sflag:s8], $0x0  }
0x24: {  	s3 =	sadd.s32 $0x88, s3;
	s6 =	simm.s32 @!p1 $0x1082;
	[sflag:s4] =	ssyncset.s32 $0xFFFFF086  }
0x25: {  	[simem:s6], [sflag:s4] =	dma.local [hbm:s3], $0xF7A  }
0x26: {  	[smem:$0x3F9E] =	sst s1;
	(tag) =	ssettag s2;
	_ =	strace s9  }
0x27: {  	s1 =	sld [smem:$0x3FAE]  }
0x28: {  	s2 =	sld [smem:$0x3FAF]  }
0x29: {  	s4 =	sld [smem:$0x3FB1]  }
0x2a: {  	p0 =	seq.s32 s5, $0x0;
	s5 =	sld [smem:$0x3FB2]  }
0x2b: {  	s6 =	sld [smem:$0x3FB3]  }
0x2c: {  	s7 =	sld [smem:$0x3FB4]  }
0x2d: {  	s3 =	simm.s32 $0x108;
	s8 =	sld [smem:$0x3FB5]  }
0x2e: {  	s3 =	simm.s32 @!p0 $0x1082;
	s9 =	sld [smem:$0x3FB6]  }
0x2f: {  	lr =	sadd.s32 s0, s3;
	s0 =	sld [smem:$0x3FAD]  }
0x30: {  	s3 =	sld [smem:$0x3FB0]  }
0x31: {  	[smem:$0x3FB9] =	sst s10  }
0x32: {  	s10 =	sld [smem:$0x3FB7];
	_ =	sdelay $0x3  }
0x33: {  	p0 =	seq.s32 s10, $0x1;
	s10 =	sld [smem:$0x3FB9];
	_ =	sdelay $0x3  }
0x34: {  	[smem:$0x3FB9] =	sst s10  }
0x35: {  	s10 =	sld [smem:$0x3FB8];
	_ =	sdelay $0x3  }
0x36: {  	p1 =	seq.s32 s10, $0x1;
	s10 =	sld [smem:$0x3FB9];
	_ =	sdelay $0x3  }
0x37: {  	[smem:$0x3FB9] =	sst s10  }
0x38: {  	s10 =	sld [smem:$0x3FBA]  }
0x39: {  	_ = 	snop;
	(pc) =	sbr.ind lr, $3  }
0x3a: {  	_ = 	snop  }
0x3b: {  	_ = 	snop  }
0x3c: {  	p2 =	seq.s32 s10, $0x1;
	s10 =	sld [smem:$0x3FB9]  }
0x3d: {  	_ =	shalt  }
0x3e: {  	_ =	shalt  }
0x3f: {  	_ =	shalt  }
0x40: {  	_ =	shalt  }
0x41: {  	_ =	shalt  }
0x42: {  	_ =	shalt  }
0x43: {  	_ =	shalt  }
0x44: {  	_ =	shalt  }
0x45: {  	_ =	shalt  }
0x46: {  	_ =	shalt  }
0x47: {  	_ =	shalt  }
0x48: {  	_ =	shalt  }
0x49: {  	_ =	shalt  }
0x4a: {  	_ =	shalt  }
0x4b: {  	_ =	shalt  }
0x4c: {  	_ =	shalt  }
0x4d: {  	_ =	shalt  }
0x4e: {  	_ =	shalt  }
0x4f: {  	_ =	shalt  }
0x50: {  	_ =	shalt  }
0x51: {  	_ =	shalt  }
0x52: {  	_ =	shalt  }
0x53: {  	_ =	shalt  }
0x54: {  	_ =	shalt  }
0x55: {  	_ =	shalt  }
0x56: {  	_ =	shalt  }
0x57: {  	_ =	shalt  }
0x58: {  	_ =	shalt  }
0x59: {  	_ =	shalt  }
0x5a: {  	_ =	shalt  }
0x5b: {  	_ =	shalt  }
0x5c: {  	_ =	shalt  }
0x5d: {  	_ =	shalt  }
0x5e: {  	_ =	shalt  }
0x5f: {  	_ =	shalt  }
0x60: {  	_ =	shalt  }
0x61: {  	_ =	shalt  }
0x62: {  	_ =	shalt  }
0x63: {  	_ =	shalt  }
0x64: {  	_ =	shalt  }
0x65: {  	_ =	shalt  }
0x66: {  	_ =	shalt  }
0x67: {  	_ =	shalt  }
0x68: {  	_ =	shalt  }
0x69: {  	_ =	shalt  }
0x6a: {  	_ =	shalt  }
0x6b: {  	_ =	shalt  }
0x6c: {  	_ =	shalt  }
0x6d: {  	_ =	shalt  }
0x6e: {  	_ =	shalt  }
0x6f: {  	_ =	shalt  }
0x70: {  	_ =	shalt  }
0x71: {  	_ =	shalt  }
0x72: {  	_ =	shalt  }
0x73: {  	_ =	shalt  }
0x74: {  	_ =	shalt  }
0x75: {  	_ =	shalt  }
0x76: {  	_ =	shalt  }
0x77: {  	_ =	shalt  }
0x78: {  	_ =	shalt  }
0x79: {  	_ =	shalt  }
0x7a: {  	_ =	shalt  }
0x7b: {  	_ =	shalt  }
0x7c: {  	_ =	shalt  }
0x7d: {  	_ =	shalt  }
0x7e: {  	_ =	shalt  }
0x7f: {  	_ =	shalt  }
0x80: {  	_ =	shalt  }
0x81: {  	_ =	shalt  }
0x82: {  	_ =	shalt  }
0x83: {  	_ =	shalt  }
0x84: {  	_ =	shalt  }
0x85: {  	_ =	shalt  }
0x86: {  	_ =	shalt  }
0x87: {  	_ =	shalt  }
.Lfunc_end0:
.L_simem_size_0:
called_computation_lowered:
.L_overlay_start_0:
0x88: {  	s2 =	sld [smem:$0x3FD9]  }
0x89: {  	s3 =	sld [smem:$0x3FFE];
	_ =	sdelay $0x1  }
0x8a: {  	s1 =	srdreg.scid  }
0x8b: {  	s0 =	sand.u32 $0x1, s1  }
0x8c: {  	s14 =	sshll.u32 s0, $0xA;
	s2 =	sadd.s32 s3, s2  }
0x8d: {  	s2 =	sadd.s32 s2, s14  }
0x8e: {  	[smem:$0x3FC5] =	sst s2  }
0x8f: {  	_ = 	snop  }
0x90: {  	s2 =	sld [smem:$0x3FD0];
	_ =	sdelay $0x2  }
0x91: {  	s4 =	simm.s32 $0xA;
	s5 =	simm.s32 $0x10;
	s15 =	sld [smem:$0x3FC7]  }
0x92: {  	[smem:s5], [sflag:s4] =	dma.local [hbm:s2], $0x1  }
0x93: {  	_ =	swait.eq [sflag:s4], $0x1  }
0x94: {  	[sflag:s4] =	ssyncset.done $0x0  }
0x95: {  	[sflag:s4] =	ssyncadd.s32 $0xFFFFFFFF  }
0x96: {  	s16 =	sld [smem:$0x10];
	(tm) =	ssettm $0x1  }
0x97: {  	s17 =	sld [smem:$0x3FFB];
	_ =	sdelay $0x3  }
0x98: {  	_ =	strace s17  }
0x99: {  	s4 =	sld [smem:$0x3FFC];
	_ =	sdelay $0x3  }
0x9a: {  	_ =	strace s4  }
0x9b: {  	s4 =	sld [smem:$0x3FFD];
	_ =	sdelay $0x3  }
0x9c: {  	_ =	strace s4  }
0x9d: {  	_ =	strace $0x8FFFFFFF  }
0x9e: {  	s18 =	sld [smem:$0x3FDB];
	_ =	sdelay $0x1  }
0x9f: {  	s19 =	simm.s32 $_scs_section_size  }
0xa0: {  	s6 =	simm.s32 $_size__tile_overlayer_lowered;
	s7 =	simm.s32 $_tile_overlayer_lowered  }
0xa1: {  	s22 =	simm.s32 $0x1BFF;
	s21 =	sshll.u32 s7, $0x1;
	s4 =	sadd.s32 s19, s18  }
0xa2: {  	s8 =	simm.s32 $0x0;
	s20 =	sshll.u32 s6, $0x1;
	s6 =	sadd.s32 s21, s4  }
0xa3: {  	[timem:s8], [sflag:s22] =	dma.local [hbm:s6], s20  }
0xa4: {  	_ =	swait.ge [sflag:s22], s20  }
0xa5: {  	s5 =	ssub.s32 $0x0, s20;
	[sflag:s22] =	ssyncset.done $0x0  }
0xa6: {  	[sflag:s22] =	ssyncadd.s32 s5;
	_ =	sdelay $0x1  }
0xa7: {  	s23 =	simm.s32 $0x1B8B  }
0xa8: {  	_ =	swait.ge [sflag:s23], $0x1  }
0xa9: {  	[sflag:s23] =	ssyncset.done $0x0  }
0xaa: {  	s25 =	simm.s32 $0x1B8E;
	s24 =	sld [smem:$0x3FFE];
	[sflag:s23] =	ssyncadd.s32 $0xFFFFFFFF  }
0xab: {  	s26 =	simm.s32 $execute0_lowered;
	[smem:$0x3FD2] =	sst s25  }
0xac: {  	s6 =	sshll.u32 s26, $0x1;
	_ =	strace $0x80000046;
	[dreg:$0x1] =	wrdreg $0xFFFFFFFF  }
0xad: {  	s28 =	simm.s32 $_size_execute0_lowered;
	s4 =	sadd.s32 s4, s6;
	[dreg:$0x0] =	wrdreg $0x0  }
0xae: {  	s6 =	sshll.u32 s28, $0x1;
	[dreg:$0x2] =	wrdreg s4  }
0xaf: {  	[dreg:$0x3] =	wrdreg s6  }
0xb0: {  	[dreg:$0x4] =	wrdreg $0xC0  }
0xb1: {  	_ =	task [dreg:s8], $0x5FFFF  }
0xb2: {  	[dreg:$0x1] =	wrdreg $0xFFFFFFFF  }
0xb3: {  	[dreg:$0x0] =	wrdreg $0x60  }
0xb4: {  	[dreg:$0x2] =	wrdreg s15  }
0xb5: {  	[dreg:$0x3] =	wrdreg s24  }
0xb6: {  	[dreg:$0x4] =	wrdreg s16  }
0xb7: {  	[dreg:$0x5] =	wrdreg $0x9  }
0xb8: {  	_ =	task.clear_ibuf [dreg:s8], $0x6FFFF;
	_ =	strace $0x90000046  }
0xb9: {  	s29 =	simm.s32 $0x9;
	_ =	strace $0x80000048  }
0xba: {  	_ =	swait.ge [sflag:s29], $0x1  }
0xbb: {  	[sflag:s29] =	ssyncadd.s32 $0xFFFFFFFF  }
0xbc: {  	_ =	strace $0x90000048  }
0xbd: {  	_ =	sfence  }
0xbe: {  	s30 =	sld [smem:$0x0];
	_ =	sdelay $0x2  }
0xbf: {  	s31 =	sshll.u32 s1, $0xD;
	s1 =	sshrl.u32 s1, $0x2  }
0xc0: {  	s3 =	sand.u32 $0x4000, s31;
	s1 =	sadd.s32 s1, s30  }
0xc1: {  	s0 =	sor.u32 s3, s0;
	s1 =	sshll.u32 s1, $0x11  }
0xc2: {  	s0 =	sor.u32 s1, s0  }
0xc3: {  	s0 =	sadd.s32 $0x8F2B, s0  }
0xc4: {  	[sflag:s0] =	ssyncadd.remote.s32 $0x1  }
0xc5: {  	_ =	sfence.sel $0xFFFF  }
0xc6: {  	[dreg:$0x0] =	wrdreg $0xFFFFFFFF;
	(pc) =	sbr.abs _section_cstart, $3  }
0xc7: {  	[dreg:$0x1] =	wrdreg $0xFFFFFFFF  }
0xc8: {  	_ =	task.clear_ibuf [dreg:s8], $0x2FFFF;
	_ =	strace $0x9FFFFFFF  }
0xc9: {  	(tm) =	ssettm $0x7FFFFFFF  }
tec
execute0_lowered:
.L_overlay_start_1:
0x0: {  	(tag) =	ssettag $0x1  }
0x1: {  	s1 =	rddreg [dreg:$0x0]  }
0x2: {  	s4 =	rddreg [dreg:$0x1];
	s2 =	srdreg.scid  }
0x3: {  	s7 =	rddreg [dreg:$0x2];
	s6 =	sand.u32 $0x1, s2  }
0x4: {  	s3 =	simm.s32 $0x0;
	s2 =	stileid.u32;
	s5 =	sshll.u32 s6, $0x4  }
0x5: {  	[smem:$0x7FF] =	sst s3;
	s29 =	sshll.u32 s2, $0x5;
	s4 =	sadd.s32 s5, s4  }
0x6: {  	s0 =	rddreg [dreg:$0x3];
	_ =	strace $0x80000047;
	s4 =	sadd.s32 s29, s4  }
0x7: {  	s8 =	ssub.s32 $0x2, s6;
	s5 =	sadd.s32 $0xC00, s4;
	s4 =	simm.s32 $0x1  }
0x8: {  	[tilespmem:s3], [sflag:$0x1] =	stream.linear.gather [hbm4b:s5+s3], $0x80, $0x38;
	[tilespmem:$0x4080] =	vst v63  }
0x9: {  	s30 =	sshll.u32 s6, $0x7;
	s9 =	sshrl.u32 s8, $0x1;
	_ =	swait.ge [sflag:s4], $0x80  }
0xa: {  	s6 =	simm.s32 $0x80;
	s8 =	ssub.s32 s8, s9;
	[sflag:s4] =	ssyncset.done $0x0  }
0xb: {  	s10 =	sshll.u32 s2, $0xC;
	s31 =	smax.u32 s8, $0x1;
	[sflag:s4] =	ssyncadd.s32 $0xFFFFFF80  }
0xc: {  	[tilespmem:s6], [sflag:$0x1] =	stream.indirect.gather [hbm4b:s1+s6], $0x80, s3, s6, $0xb8;
	[tilespmem:$0x4080] =	vst v63  }
0xd: {  	s7 =	sadd.s32 s7, s30;
	p0 =	sne.s32 s31, $0x1;
	_ =	swait.ge [sflag:s4], $0x4000  }
.Ltmp0:
0xe: {  	s7 =	sadd.s32 s10, s7;
	[sflag:s4] =	ssyncset.done $0x0;
	(pc) =	sbr.rel @!p0 .LBB2_2-.Ltmp0, $4  }
0xf: {  	s9 =	simm.s32 $0x800;
	s8 =	simm.s32 $0x400;
	[sflag:s4] =	ssyncadd.s32 $0xFFFFC000  }
0x10: {  	[hbm4b:s7+s8] =	stream.strided.scatter [tilespmem:s6], [sflag:$0x1], $0x4000, s9, s8, $0x38;
	[tilespmem:$0x4080] =	vst v63  }
0x11: {  	_ =	swait.ge [sflag:s4], $0x4000  }
0x12: {  	s10 =	sadd.s32 $0xFFFFFFFF, s31;
	[sflag:s4] =	ssyncset.done $0x0  }
.LBB2_1:
0x13: {  	p0 =	sne.s32 s10, $0x1;
	s10 =	sadd.s32 $0xFFFFFFFF, s10;
	[sflag:s4] =	ssyncadd.s32 $0xFFFFC000  }
0x14: {  	[tilespmem:s3], [sflag:$0x1] =	stream.linear.gather [hbm4b:s5+s3], $0x80, $0x38;
	[tilespmem:$0x4080] =	vst v63  }
0x15: {  	_ =	swait.ge [sflag:s4], $0x80  }
0x16: {  	[sflag:s4] =	ssyncset.done $0x0  }
0x17: {  	[sflag:s4] =	ssyncadd.s32 $0xFFFFFF80  }
0x18: {  	[tilespmem:s6], [sflag:$0x1] =	stream.indirect.gather [hbm4b:s1+s6], $0x80, s3, s6, $0xb8;
	[tilespmem:$0x4080] =	vst v63  }
0x19: {  	_ =	swait.ge [sflag:s4], $0x4000  }
.Ltmp1:
0x1a: {  	[sflag:s4] =	ssyncset.done $0x0;
	(pc) =	sbr.rel @p0 .LBB2_1-.Ltmp1, $4  }
0x1b: {  	[sflag:s4] =	ssyncadd.s32 $0xFFFFC000  }
0x1c: {  	[hbm4b:s7+s8] =	stream.strided.scatter [tilespmem:s6], [sflag:$0x1], $0x4000, s9, s8, $0x38;
	[tilespmem:$0x4080] =	vst v63  }
0x1d: {  	_ =	swait.ge [sflag:s4], $0x4000  }
0x1e: {  	[sflag:s4] =	ssyncset.done $0x0  }
.LBB2_2:
0x1f: {  	[sflag:s4] =	ssyncadd.s32 $0xFFFFC000  }
0x20: {  	_ =	sfence.sel $0x180000  }
0x21: {  	[bflag:$0x0] =	sbarrier.arrive $0xFFFF  }
0x22: {  	p0 =	sne.s32 s2, $0x0;
	_ =	strace $0x90000047  }
0x23: {  	s0 =	sadd.s32 @!p0 $0x100000, s0;
	[bflag:$0x2] =	sbarrier.arrive $0xFFFF  }
0x24: {  	[sflag:s0] =	ssyncadd.tile.s32 @!p0 $0x1;
	_ =	shalt  }
.Lfunc_end2:
_tile_overlayer_lowered:
.L_overlay_start_2:
0x25: {  	(tag) =	ssettag $0x2  }
0x26: {  	s0 =	rddreg [dreg:$0x0];
	s2 =	stileid.u32  }
0x27: {  	s1 =	rddreg [dreg:$0x1];
	p0 =	sne.s32 s2, $0x0  }
0x28: {  	s3 =	rddreg [dreg:$0x2];
	[bflag:$0x3] =	sbarrier.arrive $0xFFFF;
	s2 =	simm.s32 @!p0 $0x1C01  }
0x29: {  	[timem:s3], [sflag:s2] =	dma.local @!p0 [hbm:s0], s1  }
0x2a: {  	s0 =	simm.s32 @!p0 $0x1  }
0x2b: {  	_ =	swait.ge @!p0 [sflag:s0], s1  }
0x2c: {  	s1 =	ssub.s32 @!p0 $0x0, s1;
	[sflag:s0] =	ssyncset.done @!p0 $0x0  }
0x2d: {  	[sflag:s0] =	ssyncadd.s32 @!p0 s1  }
0x2e: {  	[bflag:$0x3] =	sbarrier.arrive $0xFFFF  }
0x2f: {  	_ =	shalt  }

</sc_bundles>
